<compile_context>
chip_gen: v7x
topology: tpu7x:2x2x1
jax: 0.10.2.dev20260603
libtpu: 0.0.44.dev20260713+nightly
codegen_flags: <defaults>
</compile_context>

<pallas_src>
import jax
import jax.numpy as jnp
from jax.experimental import pallas as pl

C = 256
K = 5
NUM_CODES = 2048
CODE_DIM = 256
B = 16
T = 2048
TQ = 2048
N_BT = B * T


def _conv_bn_relu(x, W, b, g, be):
    y = jax.lax.conv_general_dilated(
        x, W, window_strides=(1,), padding=((K // 2, K // 2),),
        dimension_numbers=('NCH', 'OIH', 'NCH'))
    y = y + b[None, :, None]
    mean = jnp.mean(y, axis=(0, 2), keepdims=True)
    var = jnp.var(y, axis=(0, 2), keepdims=True)
    y = (y - mean) / jnp.sqrt(var + 1e-5)
    y = y * g[None, :, None] + be[None, :, None]
    return jnp.maximum(y, 0.0)


def _vq_body(x_ref, rsq_ref, esq_ref, et_ref, e_ref, qst_ref, cnt_ref, se_ref):
    xf = x_ref[...]
    xb = xf.astype(jnp.bfloat16)
    etb = et_ref[...].astype(jnp.bfloat16)
    s = jax.lax.dot_general(
        xb, etb, (((1,), (0,)), ((), ())),
        preferred_element_type=jnp.float32)
    d = (rsq_ref[...] + esq_ref[...]) - 2.0 * s
    dmin = jnp.min(d, axis=1, keepdims=True)
    jj = jax.lax.broadcasted_iota(jnp.int32, (TQ, NUM_CODES), 1)
    idx = jnp.min(jnp.where(d == dmin, jj, NUM_CODES), axis=1, keepdims=True)
    oh = jnp.where(jj == idx, 1.0, 0.0)
    eb = e_ref[...].astype(jnp.bfloat16)
    q = jax.lax.dot_general(
        oh.astype(jnp.bfloat16), eb, (((1,), (0,)), ((), ())),
        preferred_element_type=jnp.float32)
    qst_ref[...] = xf + (q - xf)

    cnt = jnp.sum(oh, axis=0, keepdims=True)
    dq = q - xf
    se = jnp.sum(jnp.sum(dq * dq, axis=1, keepdims=True), axis=0,
                 keepdims=True)
    is_first = pl.program_id(0) == 0

    @pl.when(is_first)
    def _():
        cnt_ref[...] = cnt
        se_ref[...] = se

    @pl.when(jnp.logical_not(is_first))
    def _():
        cnt_ref[...] = cnt_ref[...] + cnt
        se_ref[...] = se_ref[...] + se


def _vq_call(flat, rowsq, esq, et, e):
    return pl.pallas_call(
        _vq_body,
        grid=(N_BT // TQ,),
        in_specs=[
            pl.BlockSpec((TQ, C), lambda i: (i, 0)),
            pl.BlockSpec((TQ, 1), lambda i: (i, 0)),
            pl.BlockSpec((1, NUM_CODES), lambda i: (0, 0)),
            pl.BlockSpec((CODE_DIM, NUM_CODES), lambda i: (0, 0)),
            pl.BlockSpec((NUM_CODES, CODE_DIM), lambda i: (0, 0)),
        ],
        out_specs=[
            pl.BlockSpec((TQ, C), lambda i: (i, 0)),
            pl.BlockSpec((1, NUM_CODES), lambda i: (0, 0)),
            pl.BlockSpec((1, 1), lambda i: (0, 0)),
        ],
        out_shape=[
            jax.ShapeDtypeStruct((N_BT, C), jnp.float32),
            jax.ShapeDtypeStruct((1, NUM_CODES), jnp.float32),
            jax.ShapeDtypeStruct((1, 1), jnp.float32),
        ],
    )(flat, rowsq, esq, et, e)


def kernel(x, Ws, bs, gammas, betas, E):
    for W, b, g, be in zip(Ws, bs, gammas, betas):
        x = _conv_bn_relu(x, W, b, g, be)
    inputs = jnp.transpose(x, (0, 2, 1))
    flat = inputs.reshape(-1, CODE_DIM)
    rowsq = jnp.sum(flat ** 2, axis=1, keepdims=True)
    esq = jnp.sum(E ** 2, axis=1).reshape(1, NUM_CODES)
    qst, cnt, se = _vq_call(flat, rowsq, esq, E.T, E)
    m = se[0, 0] / jnp.float32(N_BT * C)
    loss = m + 0.25 * m
    avg_probs = cnt[0] / jnp.float32(N_BT)
    perplexity = jnp.exp(-jnp.sum(avg_probs * jnp.log(avg_probs + 1e-10)))
    quantized_out = jnp.transpose(qst.reshape(B, T, C), (0, 2, 1))
    return loss, quantized_out, perplexity

# --- scband reference (transcript-rebuilt; emitter-appended) ---
"""Pipeline reference for scband-vqprosody-encoder-7258494730430 (READ-ONLY COPY).

The authoritative reference and input builder live on the scoring server;
editing this copy changes nothing except your own understanding.
"""

import jax, jax.numpy as jnp
import numpy as np

C = 256
K = 5
NUM_CODES = 2048
CODE_DIM = 256
B = 16
T = 2048


def conv_block(x, W, b, g, be):
    # Conv1d with padding=K//2, stride 1
    y = jax.lax.conv_general_dilated(x, W, window_strides=(1,), padding=((K // 2, K // 2),), dimension_numbers=('NCH', 'OIH', 'NCH'))
    y = y + b[None, :, None]
    # BatchNorm1d in training mode (batch statistics, biased variance), eps=1e-5
    mean = jnp.mean(y, axis=(0, 2), keepdims=True)
    var = jnp.var(y, axis=(0, 2), keepdims=True)
    y = (y - mean) / jnp.sqrt(var + 1e-5)
    y = y * g[None, :, None] + be[None, :, None]
    return jnp.maximum(y, 0.0)


def setup_inputs(seed: int = 0) -> dict:
    key = jax.random.key(seed)
    ks = jax.random.split(key, 32)
    x = jax.random.normal(ks[0], (B, 1, T), dtype=jnp.float32)
    Ws, bs, gs, bes = [], [], [], []
    for i in range(5):
        cin = 1 if i == 0 else C
        bound = 1.0 / np.sqrt(cin * K)
        Ws.append(jax.random.uniform(ks[1 + i], (C, cin, K), jnp.float32, -bound, bound))
        bs.append(jax.random.uniform(ks[6 + i], (C,), jnp.float32, -bound, bound))
        gs.append(jnp.ones((C,), jnp.float32))
        bes.append(jnp.zeros((C,), jnp.float32))
    E = jax.random.uniform(ks[20], (NUM_CODES, CODE_DIM), jnp.float32, -1.0 / NUM_CODES, 1.0 / NUM_CODES)
    return {"x": x, "Ws": tuple(Ws), "bs": tuple(bs), "gammas": tuple(gs), "betas": tuple(bes), "E": E}


def reference(x, Ws, bs, gammas, betas, E):
    for W, b, g, be in zip(Ws, bs, gammas, betas):
        x = conv_block(x, W, b, g, be)
    # VectorQuantization.forward
    inputs = jnp.transpose(x, (0, 2, 1))  # [B, T, C]
    input_shape = inputs.shape
    flat = inputs.reshape(-1, CODE_DIM)
    distances = (jnp.sum(flat ** 2, axis=1, keepdims=True)
                 + jnp.sum(E ** 2, axis=1)
                 - 2.0 * jnp.matmul(flat, E.T))
    encoding_indices = jnp.argmin(distances, axis=1)
    encodings = jax.nn.one_hot(encoding_indices, NUM_CODES, dtype=jnp.float32)
    quantized = jnp.matmul(encodings, E).reshape(input_shape)
    e_latent_loss = jnp.mean((jax.lax.stop_gradient(quantized) - inputs) ** 2)
    q_latent_loss = jnp.mean((quantized - jax.lax.stop_gradient(inputs)) ** 2)
    loss = q_latent_loss + 0.25 * e_latent_loss
    quantized_st = inputs + jax.lax.stop_gradient(quantized - inputs)
    avg_probs = jnp.mean(encodings, axis=0)
    perplexity = jnp.exp(-jnp.sum(avg_probs * jnp.log(avg_probs + 1e-10)))
    quantized_out = jnp.transpose(quantized_st, (0, 2, 1))  # [B, C, T]
    return (loss, quantized_out, perplexity)

if __name__ == "__main__":
    import jax
    _d = setup_inputs()
    print(jax.jit(kernel)(*tuple(_d.values())))

</pallas_src>

<mosaic_0001>
module attributes {stable_mosaic.version = 14 : i64} {
  func.func @_vq_body(%arg0: i32, %arg1: memref<2048x256xf32, #tpu.memory_space<vmem>>, %arg2: memref<2048x1xf32, #tpu.memory_space<vmem>>, %arg3: memref<1x2048xf32, #tpu.memory_space<vmem>>, %arg4: memref<256x2048xf32, #tpu.memory_space<vmem>>, %arg5: memref<2048x256xf32, #tpu.memory_space<vmem>>, %arg6: memref<2048x256xf32, #tpu.memory_space<vmem>>, %arg7: memref<1x2048xf32, #tpu.memory_space<vmem>>, %arg8: memref<1x1xf32, #tpu.memory_space<vmem>>) attributes {dimension_semantics = [#tpu.dimension_semantics<arbitrary>], iteration_bounds = array<i64: 16>, scalar_prefetch = 0 : i64, scratch_operands = 0 : i64, tpu.core_type = #tpu.core_type<tc>, window_params = [{transform_indices = @transform_0, window_bounds = array<i64: 2048, 256>}, {transform_indices = @transform_1, window_bounds = array<i64: 2048, 1>}, {pipeline_mode = #tpu.pipeline_mode<synchronous>, transform_indices = @transform_2, window_bounds = array<i64: 1, 2048>}, {pipeline_mode = #tpu.pipeline_mode<synchronous>, transform_indices = @transform_3, window_bounds = array<i64: 256, 2048>}, {pipeline_mode = #tpu.pipeline_mode<synchronous>, transform_indices = @transform_4, window_bounds = array<i64: 2048, 256>}, {transform_indices = @transform_5, window_bounds = array<i64: 2048, 256>}, {pipeline_mode = #tpu.pipeline_mode<synchronous>, transform_indices = @transform_6, window_bounds = array<i64: 1, 2048>}, {pipeline_mode = #tpu.pipeline_mode<synchronous>, transform_indices = @transform_7, window_bounds = array<i64: 1, 1>}]} {
    %get3A = arith.constant 0 : index
    %get3A_0 = arith.constant 0 : index
    %get3A_1 = vector.load %arg1[%get3A, %get3A_0] : memref<2048x256xf32, #tpu.memory_space<vmem>>, vector<2048x256xf32>
    %convert_element_type3A = arith.truncf %get3A_1 : vector<2048x256xf32> to vector<2048x256xbf16>
    %get3A_2 = arith.constant 0 : index
    %get3A_3 = arith.constant 0 : index
    %get3A_4 = vector.load %arg4[%get3A_2, %get3A_3] : memref<256x2048xf32, #tpu.memory_space<vmem>>, vector<256x2048xf32>
    %convert_element_type3A_5 = arith.truncf %get3A_4 : vector<256x2048xf32> to vector<256x2048xbf16>
    %dot_general3A = arith.constant dense<0.000000e+00> : vector<2048x2048xf32>
    %dot_general3A_6 = tpu.matmul %convert_element_type3A, %convert_element_type3A_5, %dot_general3A {dimension_numbers = #tpu.dot_dimension_numbers<[1], [0], [0], [1], [0, 0, 1, 1], [], []>, transpose_lhs_hint = false} : vector<2048x256xbf16>, vector<256x2048xbf16>, vector<2048x2048xf32> -> vector<2048x2048xf32>
    %get3A_7 = arith.constant 0 : index
    %get3A_8 = arith.constant 0 : index
    %get3A_9 = vector.load %arg2[%get3A_7, %get3A_8] : memref<2048x1xf32, #tpu.memory_space<vmem>>, vector<2048x1xf32>
    %get3A_10 = arith.constant 0 : index
    %get3A_11 = arith.constant 0 : index
    %get3A_12 = vector.load %arg3[%get3A_10, %get3A_11] : memref<1x2048xf32, #tpu.memory_space<vmem>>, vector<1x2048xf32>
    %add3A = vector.broadcast %get3A_9 : vector<2048x1xf32> to vector<2048x2048xf32>
    %add3A_13 = vector.broadcast %get3A_12 : vector<1x2048xf32> to vector<2048x2048xf32>
    %add3A_14 = arith.addf %add3A, %add3A_13 : vector<2048x2048xf32>
    %mul3A = arith.constant 2.000000e+00 : f32
    %mul3A_15 = vector.broadcast %mul3A : f32 to vector<2048x2048xf32>
    %mul3A_16 = arith.mulf %mul3A_15, %dot_general3A_6 : vector<2048x2048xf32>
    %sub3A = arith.subf %add3A_14, %mul3A_16 : vector<2048x2048xf32>
    %reduce_min3A = arith.constant dense<0x7F800000> : vector<2048xf32>
    %reduce_min3A_17 = vector.multi_reduction <minimumf>, %sub3A, %reduce_min3A [1] : vector<2048x2048xf32> to vector<2048xf32>
    %broadcast_in_dim3A = vector.shape_cast %reduce_min3A_17 : vector<2048xf32> to vector<2048x1xf32>
    %iota3A = tpu.iota {dimensions = array<i32: 1>} : vector<2048x2048xi32>
    %eq3A = vector.broadcast %broadcast_in_dim3A : vector<2048x1xf32> to vector<2048x2048xf32>
    %eq3A_18 = arith.cmpf oeq, %sub3A, %eq3A : vector<2048x2048xf32>
    %jit3A = arith.constant 2048 : i32
    %broadcast_in_dim3A_19 = vector.broadcast %jit3A : i32 to vector<2048x2048xi32>
    %select_n3A = arith.select %eq3A_18, %iota3A, %broadcast_in_dim3A_19 : vector<2048x2048xi1>, vector<2048x2048xi32>
    %reduce_min3A_20 = arith.constant dense<2147483647> : vector<2048xi32>
    %reduce_min3A_21 = vector.multi_reduction <minsi>, %select_n3A, %reduce_min3A_20 [1] : vector<2048x2048xi32> to vector<2048xi32>
    %broadcast_in_dim3A_22 = vector.shape_cast %reduce_min3A_21 : vector<2048xi32> to vector<2048x1xi32>
    %eq3A_23 = vector.broadcast %broadcast_in_dim3A_22 : vector<2048x1xi32> to vector<2048x2048xi32>
    %eq3A_24 = arith.cmpi eq, %iota3A, %eq3A_23 : vector<2048x2048xi32>
    %jit3A_25 = arith.constant 1.000000e+00 : f32
    %jit3A_26 = arith.constant 0.000000e+00 : f32
    %broadcast_in_dim3A_27 = vector.broadcast %jit3A_25 : f32 to vector<2048x2048xf32>
    %broadcast_in_dim3A_28 = vector.broadcast %jit3A_26 : f32 to vector<2048x2048xf32>
    %select_n3A_29 = arith.select %eq3A_24, %broadcast_in_dim3A_27, %broadcast_in_dim3A_28 : vector<2048x2048xi1>, vector<2048x2048xf32>
    %get3A_30 = arith.constant 0 : index
    %get3A_31 = arith.constant 0 : index
    %get3A_32 = vector.load %arg5[%get3A_30, %get3A_31] : memref<2048x256xf32, #tpu.memory_space<vmem>>, vector<2048x256xf32>
    %convert_element_type3A_33 = arith.truncf %get3A_32 : vector<2048x256xf32> to vector<2048x256xbf16>
    %convert_element_type3A_34 = arith.truncf %select_n3A_29 : vector<2048x2048xf32> to vector<2048x2048xbf16>
    %dot_general3A_35 = arith.constant dense<0.000000e+00> : vector<2048x256xf32>
    %dot_general3A_36 = tpu.matmul %convert_element_type3A_34, %convert_element_type3A_33, %dot_general3A_35 {dimension_numbers = #tpu.dot_dimension_numbers<[1], [0], [0], [1], [0, 0, 1, 1], [], []>, transpose_lhs_hint = false} : vector<2048x2048xbf16>, vector<2048x256xbf16>, vector<2048x256xf32> -> vector<2048x256xf32>
    %sub3A_37 = arith.subf %dot_general3A_36, %get3A_1 : vector<2048x256xf32>
    %add3A_38 = arith.addf %get3A_1, %sub3A_37 : vector<2048x256xf32>
    %swap3A = arith.constant 0 : index
    %swap3A_39 = arith.constant 0 : index
    %swap3A_40 = vector.load %arg6[%swap3A, %swap3A_39] : memref<2048x256xf32, #tpu.memory_space<vmem>>, vector<2048x256xf32>
    tpu.vector_store %arg6[%swap3A, %swap3A_39], %add3A_38 {strides = array<i32>} : memref<2048x256xf32, #tpu.memory_space<vmem>>, vector<2048x256xf32>,
    %reduce_sum3A = arith.constant dense<0.000000e+00> : vector<2048xf32>
    %reduce_sum3A_41 = vector.multi_reduction <add>, %select_n3A_29, %reduce_sum3A [0] : vector<2048x2048xf32> to vector<2048xf32>
    %broadcast_in_dim3A_42 = vector.shape_cast %reduce_sum3A_41 : vector<2048xf32> to vector<1x2048xf32>
    %sub3A_43 = arith.subf %dot_general3A_36, %get3A_1 : vector<2048x256xf32>
    %mul3A_44 = arith.mulf %sub3A_43, %sub3A_43 : vector<2048x256xf32>
    %reduce_sum3A_45 = arith.constant dense<0.000000e+00> : vector<2048xf32>
    %reduce_sum3A_46 = vector.multi_reduction <add>, %mul3A_44, %reduce_sum3A_45 [1] : vector<2048x256xf32> to vector<2048xf32>
    %broadcast_in_dim3A_47 = vector.shape_cast %reduce_sum3A_46 : vector<2048xf32> to vector<2048x1xf32>
    %reduce_sum3A_48 = arith.constant dense<0.000000e+00> : vector<1xf32>
    %reduce_sum3A_49 = vector.multi_reduction <add>, %broadcast_in_dim3A_47, %reduce_sum3A_48 [0] : vector<2048x1xf32> to vector<1xf32>
    %broadcast_in_dim3A_50 = vector.shape_cast %reduce_sum3A_49 : vector<1xf32> to vector<1x1xf32>
    %eq3A_51 = arith.constant 0 : i32
    %eq3A_52 = arith.cmpi eq, %arg0, %eq3A_51 : i32
    %convert_element_type3A_53 = arith.extui %eq3A_52 : i1 to i32
    %cond3A = arith.constant 0 : i32
    %cond3A_54 = arith.cmpi ne, %convert_element_type3A_53, %cond3A : i32
    scf.if %cond3A_54 {
      %swap3A_59 = arith.constant 0 : index
      %swap3A_60 = arith.constant 0 : index
      %swap3A_61 = vector.load %arg7[%swap3A_59, %swap3A_60] : memref<1x2048xf32, #tpu.memory_space<vmem>>, vector<1x2048xf32>
      tpu.vector_store %arg7[%swap3A_59, %swap3A_60], %broadcast_in_dim3A_42 {strides = array<i32>} : memref<1x2048xf32, #tpu.memory_space<vmem>>, vector<1x2048xf32>,
      %swap3A_62 = arith.constant 0 : index
      %swap3A_63 = arith.constant 0 : index
      %swap3A_64 = vector.load %arg8[%swap3A_62, %swap3A_63] : memref<1x1xf32, #tpu.memory_space<vmem>>, vector<1x1xf32>
      tpu.vector_store %arg8[%swap3A_62, %swap3A_63], %broadcast_in_dim3A_50 {strides = array<i32>} : memref<1x1xf32, #tpu.memory_space<vmem>>, vector<1x1xf32>,
    } else {
    }
    %not3A = arith.constant true
    %not3A_55 = arith.xori %eq3A_52, %not3A : i1
    %convert_element_type3A_56 = arith.extui %not3A_55 : i1 to i32
    %cond3A_57 = arith.constant 0 : i32
    %cond3A_58 = arith.cmpi ne, %convert_element_type3A_56, %cond3A_57 : i32
    scf.if %cond3A_58 {
      %get3A_59 = arith.constant 0 : index
      %get3A_60 = arith.constant 0 : index
      %get3A_61 = vector.load %arg7[%get3A_59, %get3A_60] : memref<1x2048xf32, #tpu.memory_space<vmem>>, vector<1x2048xf32>
      %add3A_62 = arith.addf %get3A_61, %broadcast_in_dim3A_42 : vector<1x2048xf32>
      %swap3A_63 = arith.constant 0 : index
      %swap3A_64 = arith.constant 0 : index
      %swap3A_65 = vector.load %arg7[%swap3A_63, %swap3A_64] : memref<1x2048xf32, #tpu.memory_space<vmem>>, vector<1x2048xf32>
      tpu.vector_store %arg7[%swap3A_63, %swap3A_64], %add3A_62 {strides = array<i32>} : memref<1x2048xf32, #tpu.memory_space<vmem>>, vector<1x2048xf32>,
      %get3A_66 = arith.constant 0 : index
      %get3A_67 = arith.constant 0 : index
      %get3A_68 = vector.load %arg8[%get3A_66, %get3A_67] : memref<1x1xf32, #tpu.memory_space<vmem>>, vector<1x1xf32>
      %add3A_69 = arith.addf %get3A_68, %broadcast_in_dim3A_50 : vector<1x1xf32>
      %swap3A_70 = arith.constant 0 : index
      %swap3A_71 = arith.constant 0 : index
      %swap3A_72 = vector.load %arg8[%swap3A_70, %swap3A_71] : memref<1x1xf32, #tpu.memory_space<vmem>>, vector<1x1xf32>
      tpu.vector_store %arg8[%swap3A_70, %swap3A_71], %add3A_69 {strides = array<i32>} : memref<1x1xf32, #tpu.memory_space<vmem>>, vector<1x1xf32>,
    } else {
    }
    return
  }
  func.func @transform_0(%arg0: i32) -> (i32, i32) {
    %c0_i32 = arith.constant 0 : i32
    %c0_i32_0 = arith.constant 0 : i32
    return %arg0, %c0_i32 : i32, i32
  }
  func.func @transform_1(%arg0: i32) -> (i32, i32) {
    %c0_i32 = arith.constant 0 : i32
    %c0_i32_0 = arith.constant 0 : i32
    return %arg0, %c0_i32 : i32, i32
  }
  func.func @transform_2(%arg0: i32) -> (i32, i32) {
    %c0_i32 = arith.constant 0 : i32
    %c0_i32_0 = arith.constant 0 : i32
    %c0_i32_1 = arith.constant 0 : i32
    return %c0_i32, %c0_i32_0 : i32, i32
  }
  func.func @transform_3(%arg0: i32) -> (i32, i32) {
    %c0_i32 = arith.constant 0 : i32
    %c0_i32_0 = arith.constant 0 : i32
    %c0_i32_1 = arith.constant 0 : i32
    return %c0_i32, %c0_i32_0 : i32, i32
  }
  func.func @transform_4(%arg0: i32) -> (i32, i32) {
    %c0_i32 = arith.constant 0 : i32
    %c0_i32_0 = arith.constant 0 : i32
    %c0_i32_1 = arith.constant 0 : i32
    return %c0_i32, %c0_i32_0 : i32, i32
  }
  func.func @transform_5(%arg0: i32) -> (i32, i32) {
    %c0_i32 = arith.constant 0 : i32
    %c0_i32_0 = arith.constant 0 : i32
    return %arg0, %c0_i32 : i32, i32
  }
  func.func @transform_6(%arg0: i32) -> (i32, i32) {
    %c0_i32 = arith.constant 0 : i32
    %c0_i32_0 = arith.constant 0 : i32
    %c0_i32_1 = arith.constant 0 : i32
    return %c0_i32, %c0_i32_0 : i32, i32
  }
  func.func @transform_7(%arg0: i32) -> (i32, i32) {
    %c0_i32 = arith.constant 0 : i32
    %c0_i32_0 = arith.constant 0 : i32
    %c0_i32_1 = arith.constant 0 : i32
    return %c0_i32, %c0_i32_0 : i32, i32
  }
}

</mosaic_0001>

<sc_bundles>
// kernel: sparse-core-data-format-call.cloned.1.call-start
scs
called_computation_lowered:
.L_overlay_start_0:
0x0: {  	s2 =	sld [smem:$0x3FD9]  }
0x1: {  	s3 =	sld [smem:$0x3FFE];
	_ =	sdelay $0x1  }
0x2: {  	s1 =	srdreg.scid  }
0x3: {  	s0 =	sand.u32 $0x1, s1  }
0x4: {  	s15 =	sshll.u32 s0, $0xA;
	s2 =	sadd.s32 s3, s2  }
0x5: {  	s2 =	sadd.s32 s2, s15  }
0x6: {  	[smem:$0x3FB2] =	sst s2  }
0x7: {  	_ = 	snop  }
0x8: {  	s2 =	sld [smem:$0x3FD0];
	_ =	sdelay $0x2  }
0x9: {  	s16 =	simm.s32 $0xA;
	s4 =	simm.s32 $0x10  }
0xa: {  	[smem:s4], [sflag:s16] =	dma.local [hbm:s2], $0x1  }
0xb: {  	_ =	swait.eq [sflag:s16], $0x1  }
0xc: {  	[sflag:s16] =	ssyncset.done $0x0  }
0xd: {  	[sflag:s16] =	ssyncadd.s32 $0xFFFFFFFF  }
0xe: {  	s17 =	sld [smem:$0x11];
	(tm) =	ssettm $0x1  }
0xf: {  	s18 =	sld [smem:$0x3FFB];
	_ =	sdelay $0x3  }
0x10: {  	_ =	strace s18  }
0x11: {  	s3 =	sld [smem:$0x3FFC];
	_ =	sdelay $0x3  }
0x12: {  	_ =	strace s3  }
0x13: {  	s3 =	sld [smem:$0x3FFD];
	_ =	sdelay $0x3  }
0x14: {  	_ =	strace s3  }
0x15: {  	_ =	strace $0x8FFFFFFF  }
0x16: {  	s19 =	sld [smem:$0x3FDB];
	_ =	sdelay $0x1  }
0x17: {  	s20 =	simm.s32 $_scs_section_size  }
0x18: {  	s5 =	simm.s32 $_size__tile_overlayer_lowered;
	s6 =	simm.s32 $_tile_overlayer_lowered  }
0x19: {  	s23 =	simm.s32 $0x1BFF;
	s22 =	sshll.u32 s6, $0x1;
	s3 =	sadd.s32 s20, s19  }
0x1a: {  	s7 =	simm.s32 $0x0;
	s21 =	sshll.u32 s5, $0x1;
	s5 =	sadd.s32 s22, s3  }
0x1b: {  	[timem:s7], [sflag:s23] =	dma.local [hbm:s5], s21  }
0x1c: {  	_ =	swait.ge [sflag:s23], s21  }
0x1d: {  	s4 =	ssub.s32 $0x0, s21;
	[sflag:s23] =	ssyncset.done $0x0  }
0x1e: {  	[sflag:s23] =	ssyncadd.s32 s4;
	_ =	sdelay $0x1  }
0x1f: {  	s24 =	simm.s32 $0x1B8B  }
0x20: {  	_ =	swait.ge [sflag:s24], $0x1  }
0x21: {  	[sflag:s24] =	ssyncset.done $0x0  }
0x22: {  	s26 =	simm.s32 $0x1B8E;
	s25 =	sld [smem:$0x3FFE];
	[sflag:s24] =	ssyncadd.s32 $0xFFFFFFFF  }
0x23: {  	s27 =	simm.s32 $execute0_lowered;
	[smem:$0x3FD2] =	sst s26  }
0x24: {  	s5 =	sshll.u32 s27, $0x1;
	_ =	strace $0x80000046;
	[dreg:$0x1] =	wrdreg $0xFFFFFFFF  }
0x25: {  	s28 =	simm.s32 $_size_execute0_lowered;
	s3 =	sadd.s32 s3, s5;
	[dreg:$0x0] =	wrdreg $0x0  }
0x26: {  	s5 =	sshll.u32 s28, $0x1;
	[dreg:$0x2] =	wrdreg s3  }
0x27: {  	[dreg:$0x3] =	wrdreg s5  }
0x28: {  	[dreg:$0x4] =	wrdreg $0xC0  }
0x29: {  	_ =	task [dreg:s7], $0x5FFFF  }
0x2a: {  	[dreg:$0x1] =	wrdreg $0xFFFFFFFF  }
0x2b: {  	[dreg:$0x0] =	wrdreg $0x60  }
0x2c: {  	[dreg:$0x2] =	wrdreg s25  }
0x2d: {  	[dreg:$0x3] =	wrdreg s17  }
0x2e: {  	[dreg:$0x4] =	wrdreg $0x9  }
0x2f: {  	_ =	task.clear_ibuf [dreg:s7], $0x5FFFF;
	_ =	strace $0x90000046  }
0x30: {  	s29 =	simm.s32 $0x9;
	_ =	strace $0x80000048  }
0x31: {  	_ =	swait.ge [sflag:s29], $0x1  }
0x32: {  	[sflag:s29] =	ssyncadd.s32 $0xFFFFFFFF  }
0x33: {  	_ =	strace $0x90000048  }
0x34: {  	_ =	sfence  }
0x35: {  	s30 =	sld [smem:$0x0];
	_ =	sdelay $0x2  }
0x36: {  	s31 =	sshll.u32 s1, $0xD;
	s1 =	sshrl.u32 s1, $0x2  }
0x37: {  	s3 =	sand.u32 $0x4000, s31;
	s1 =	sadd.s32 s1, s30  }
0x38: {  	s0 =	sor.u32 s3, s0;
	s1 =	sshll.u32 s1, $0x11  }
0x39: {  	s0 =	sor.u32 s1, s0  }
0x3a: {  	s0 =	sadd.s32 $0x8F2B, s0  }
0x3b: {  	[sflag:s0] =	ssyncadd.remote.s32 $0x1  }
0x3c: {  	_ =	sfence.sel $0xFFFF  }
0x3d: {  	[dreg:$0x0] =	wrdreg $0xFFFFFFFF;
	(pc) =	sbr.abs _section_cstart, $3  }
0x3e: {  	[dreg:$0x1] =	wrdreg $0xFFFFFFFF  }
0x3f: {  	_ =	task.clear_ibuf [dreg:s7], $0x2FFFF;
	_ =	strace $0x9FFFFFFF  }
0x40: {  	(tm) =	ssettm $0x7FFFFFFF  }
0x41: {  	_ =	shalt  }
tec
execute0_lowered:
.L_overlay_start_1:
0x0: {  	(tag) =	ssettag $0x1  }
0x1: {  	s3 =	rddreg [dreg:$0x0]  }
0x2: {  	s0 =	srdreg.scid;
	s1 =	rddreg [dreg:$0x1]  }
0x3: {  	s5 =	simm.s32 $0x1;
	s7 =	simm.s32 $0x2;
	s15 =	simm.s32 $0x0  }
0x4: {  	p0 =	por $0x0, $0x0;
	s13 =	simm.s32 $0x0;
	s14 =	simm.s32 $0x0  }
0x5: {  	s9 =	simm.s32 $0x0;
	s11 =	stileid.u32;
	s0 =	sshll.u32 s0, $0x7  }
0x6: {  	s12 =	simm.s32 $0x0;
	s2 =	sand.u32 $0x80, s0;
	s0 =	rddreg [dreg:$0x2]  }
.Ltmp0:
0x7: {  	_ =	strace $0x80000047;
	s6 =	ssub.s32 $0x800, s2;
	(pc) =	sbr.rel .LBB1_1-.Ltmp0, $4  }
0x8: {  	s4 =	sadd.s32 $0x110200, s3;
	[sflag:s5] =	ssyncpa.u1 $0x0;
	s31 =	sshrl.u32 s6, $0x7  }
0x9: {  	s10 =	smov.u32 s2;
	s6 =	sshrl.u32 s6, $0x8;
	s3 =	sand.u32 $0x1, s31  }
0xa: {  	[sflag:s7] =	ssyncpa.u1 $0x0;
	s8 =	sadd.s32 s6, s3;
	s3 =	stileid.u32  }
0xb: {  	s6 =	sshll.u32 s8, $0x1;
	s7 =	sshllo.u32 s8, $0x1;
	s8 =	simm.s32 $0x4000  }
.LBB1_4:
0xc: {  	v5 =	vld [tilespmem:s18+$0xFFFFFFD0];
	[tilespmem:s19+$0x2040 ss:$0x81] =	vst.msk $0xffff, v1  }
0xd: {  	v58 =	vld [tilespmem:s18+$0xFFFFFFE0];
	[tilespmem:s19+$0x2850 ss:$0x81] =	vst.msk $0xffff, v2  }
0xe: {  	s20 =	sshra.s32 s20, $0x2;
	v59 =	vld [tilespmem:s18+$0xFFFFFFF0];
	[tilespmem:s19+$0x3060 ss:$0x81] =	vst.msk $0xffff, v3  }
0xf: {  	v60 =	vld [tilespmem:s18+$0x0];
	[tilespmem:s19+$0x0 ss:$0x81] =	vst.msk $0xffff, v0;
	s17 =	sadd.s32 s20, s17  }
0x10: {  	v61 =	vld [tilespmem:s18+$0x10];
	s26 =	sshll.u32 s15, $0xB;
	[tilespmem:s17+$0x3870 ss:$0x81] =	vst.msk $0xffff, v4  }
0x11: {  	v62 =	vld [tilespmem:s18+$0x20];
	s27 =	sand.u32 $0x78, s13;
	s21 =	sshll.u32 s13, $0x3;
	s29 =	sshll.u32 s15, $0x7;
	[tilespmem:s17+$0x810 ss:$0x81] =	vst.msk $0xffff, v5  }
0x12: {  	v63 =	vld [tilespmem:s18+$0xFFFFFFC0];
	s14 =	sshll.u32 s14, $0x10;
	s19 =	sand.u32 $0x7C000, s26;
	s28 =	sand.u32 $0x7FC00, s21;
	[tilespmem:s17+$0x1020 ss:$0x81] =	vst.msk $0xffff, v58  }
0x13: {  	s31 =	sand.u32 $0x7, s13;
	s21 =	sand.u32 $0x400, s21;
	s18 =	sadd.s32 s28, s19;
	[tilespmem:s17+$0x1830 ss:$0x81] =	vst.msk $0xffff, v59  }
0x14: {  	s15 =	sand.u32 $0x380, s29;
	s30 =	sor.u32 s27, s21;
	s18 =	sshrl.u32 s18, $0x3;
	[tilespmem:s17+$0x2040 ss:$0x81] =	vst.msk $0xffff, v60  }
0x15: {  	s14 =	sadd.s32 s1, s14;
	s15 =	sor.u32 s15, s30;
	s18 =	sand.u32 $0xFF00, s18;
	[tilespmem:s17+$0x2850 ss:$0x81] =	vst.msk $0xffff, v61  }
0x16: {  	s13 =	sshll.u32 s31, $0x12;
	s15 =	sshrl.u32 s15, $0x3;
	[tilespmem:s17+$0x3060 ss:$0x81] =	vst.msk $0xffff, v62;
	s14 =	sadd.s32 s18, s14  }
0x17: {  	s13 =	sor.u32 $0x400, s13;
	[tilespmem:s17+$0x0 ss:$0x81] =	vst.msk $0xffff, v63;
	s14 =	sadd.s32 s15, s14  }
0x18: {  	[hbm4b:s14+s13] =	stream.strided.scatter [tilespmem:s16], [sflag:$0x2], $0x4000, s8, s13, $0x20;
	[tilespmem:$0x10100] =	vst v63  }
.LBB1_5:
0x19: {  	s16 =	sadd.s32 $0x80, s9  }
0x1a: {  	s13 =	sadd.s32 $0x100, s10;
	s17 =	smov.u32 s10;
	p2 =	sgt.s32 s16, $0xFF  }
0x1b: {  	s17 =	smov.u32 @p2 s13  }
0x1c: {  	s19 =	smov.u32 s11;
	s13 =	sadd.s32 $0x10, s11;
	p3 =	sgt.s32 s17, $0x7FF  }
0x1d: {  	s19 =	smov.u32 @p3 s13  }
0x1e: {  	s16 =	simm.s32 @p2 $0x0;
	p2 =	sgt.s32 s19, $0xF  }
0x1f: {  	p1 =	slt.u32 s12, $0x2;
	s19 =	smov.u32 @p2 s3;
	p2 =	sne.s32 s12, s7  }
.Ltmp1:
0x20: {  	s18 =	simm.s32 @!p1 $0x2;
	(pc) =	sbr.rel @!p2 .LBB1_6-.Ltmp1, $4  }
0x21: {  	s15 =	smov.u32 s9;
	s14 =	smov.u32 s11;
	_ =	swait.ge @!p1 [sflag:s18], $0x4000  }
0x22: {  	p0 =	por !p0, !p0;
	[sflag:s18] =	ssyncset.done @!p1 $0x0;
	s9 =	smov.u32 s16  }
0x23: {  	s17 =	smov.u32 @p3 s2;
	s13 =	smov.u32 s10;
	[sflag:s18] =	ssyncadd.s32 @!p1 $0xFFFFC000  }
0x24: {  	s10 =	smov.u32 s17;
	s12 =	sadd.s32 $0x1, s12;
	s11 =	smov.u32 s19  }
.LBB1_1:
0x25: {  	p1 =	sge.u32 s12, s6  }
0x26: {  	s31 =	sadd.s32 $0xFFFFFFFF, s12;
	s16 =	sxor.u32 @!p1 $0xFFFFFFFF, s12  }
0x27: {  	s17 =	sshll.u32 @!p1 s10, $0x8;
	s18 =	sshll.u32 @!p1 s9, $0x3;
	s19 =	sshll.u32 @!p1 s10, $0x7  }
0x28: {  	s20 =	sand.u32 @!p1 $0x78, s9;
	s17 =	sand.u32 @!p1 $0x7F800, s17;
	s18 =	sand.u32 @!p1 $0x7FC00, s18  }
0x29: {  	s16 =	sshll.u32 @!p1 s16, $0xE;
	s17 =	sadd.s32 @!p1 s17, s18;
	s18 =	sand.u32 @!p1 $0x300, s19  }
0x2a: {  	s16 =	sand.u32 @!p1 $0x4000, s16;
	s17 =	sor.u32 @!p1 s18, s17;
	s18 =	sand.u32 @!p1 $0x80, s19  }
0x2b: {  	s19 =	sshll.u32 @!p1 s11, $0x10;
	s18 =	sor.u32 @!p1 s20, s18;
	s17 =	sshrl.u32 @!p1 s17, $0x3  }
0x2c: {  	s19 =	sadd.s32 @!p1 s4, s19;
	s20 =	sand.u32 @!p1 $0x7, s9;
	s18 =	sshrl.u32 @!p1 s18, $0x3  }
0x2d: {  	s17 =	sand.u32 @!p1 $0xFFE0, s17;
	s18 =	sadd.s32 @!p1 s18, s19;
	s19 =	sshll.u32 @!p1 s20, $0x12  }
0x2e: {  	s17 =	sadd.s32 @!p1 s17, s18;
	s18 =	sor.u32 @!p1 $0x400, s19;
	s19 =	simm.s32 @!p1 $0x800  }
0x2f: {  	[tilespmem:s16], [sflag:$0x1] =	stream.strided.gather @!p1 [hbm4b:s17+s18], $0x4000, s19, s18, $0x38;
	[tilespmem:$0x10100] =	vst v63  }
0x30: {  	p1 =	sge.u32 s31, s6  }
.Ltmp2:
0x31: {  	_ = 	snop;
	(pc) =	sbr.rel @p1 .LBB1_5-.Ltmp2, $1  }
0x32: {  	_ =	sdelay $0x3  }
0x33: {  	s16 =	simm.s32 $0x1  }
0x34: {  	_ =	swait.ge [sflag:s5], $0x4000;
	s16 =	simm.s32 @!p0 $0x0  }
0x35: {  	[sflag:s5] =	ssyncset.done $0x0;
	s17 =	sshll.u32 s16, $0xE  }
0x36: {  	[sflag:s5] =	ssyncadd.s32 $0xFFFFC000;
	s18 =	sor.u32 $0x40, s17  }
0x37: {  	s16 =	smul.u32 $0x10200, s16;
	v0 =	vld [tilespmem:s18+$0x30]  }
0x38: {  	v3 =	vld [tilespmem:s18+$0xFFFFFFD0]  }
0x39: {  	s16 =	sshrl.u32 s16, $0x2;
	v4 =	vld [tilespmem:s18+$0xFFFFFFE0]  }
0x3a: {  	v5 =	vld [tilespmem:s18+$0xFFFFFFF0];
	s17 =	sor.u32 $0x8000, s16  }
0x3b: {  	s31 =	sand.u32 $0x1, s12;
	v1 =	vld [tilespmem:s18+$0x0];
	s19 =	sadd.s32 $0x0, s17  }
0x3c: {  	v2 =	vld [tilespmem:s18+$0x10];
	s16 =	smul.u32 $0x10200, s31;
	[tilespmem:s19+$0x3870 ss:$0x81] =	vst.msk $0xffff, v0  }
0x3d: {  	[tilespmem:s19+$0x810 ss:$0x81] =	vst.msk $0xffff, v3;
	v3 =	vld [tilespmem:s18+$0x20]  }
0x3e: {  	s16 =	sshrl.u32 s16, $0x2;
	v0 =	vld [tilespmem:s18+$0xFFFFFFC0];
	[tilespmem:s19+$0x1020 ss:$0x81] =	vst.msk $0xffff, v4;
	s18 =	sadd.s32 $0x80, s18  }
0x3f: {  	s20 =	simm.s32 $0x4;
	s21 =	simm.s32 $0x8;
	s16 =	sor.u32 $0x8000, s16;
	[tilespmem:s19+$0x1830 ss:$0x81] =	vst.msk $0xffff, v5;
	v4 =	vld [tilespmem:s18+$0x30]  }
.LBB1_3:
0x40: {  	p1 =	sne.s32 s21, $0x1FC;
	v5 =	vld [tilespmem:s18+$0xFFFFFFD0];
	[tilespmem:s19+$0x2040 ss:$0x81] =	vst.msk $0xffff, v1  }
0x41: {  	v6 =	vld [tilespmem:s18+$0xFFFFFFE0];
	[tilespmem:s19+$0x2850 ss:$0x81] =	vst.msk $0xffff, v2  }
0x42: {  	s22 =	sshra.s32 s20, $0x2;
	s20 =	smov.u32 s21;
	v7 =	vld [tilespmem:s18+$0xFFFFFFF0];
	[tilespmem:s19+$0x3060 ss:$0x81] =	vst.msk $0xffff, v3  }
.Ltmp3:
0x43: {  	v1 =	vld [tilespmem:s18+$0x0];
	[tilespmem:s19+$0x0 ss:$0x81] =	vst.msk $0xffff, v0;
	s19 =	sadd.s32 s22, s17;
	(pc) =	sbr.rel @p1 .LBB1_3-.Ltmp3, $4  }
0x44: {  	v2 =	vld [tilespmem:s18+$0x10];
	[tilespmem:s19+$0x3870 ss:$0x81] =	vst.msk $0xffff, v4  }
0x45: {  	[tilespmem:s19+$0x810 ss:$0x81] =	vst.msk $0xffff, v5;
	v3 =	vld [tilespmem:s18+$0x20]  }
0x46: {  	v0 =	vld [tilespmem:s18+$0xFFFFFFC0];
	[tilespmem:s19+$0x1020 ss:$0x81] =	vst.msk $0xffff, v6;
	s18 =	sadd.s32 $0x80, s18  }
0x47: {  	s21 =	sadd.s32 $0x4, s21;
	v4 =	vld [tilespmem:s18+$0x30];
	[tilespmem:s19+$0x1830 ss:$0x81] =	vst.msk $0xffff, v7  }
.Ltmp4:
0x48: {  	_ = 	snop;
	(pc) =	sbr.rel .LBB1_4-.Ltmp4, $1  }
0x49: {  	_ =	sdelay $0x3  }
.LBB1_6:
0x4a: {  	_ =	sfence.sel $0x180000  }
0x4b: {  	s1 =	simm.s32 $0x1;
	[bflag:$0x0] =	sbarrier.arrive $0xFFFF  }
0x4c: {  	s31 =	simm.s32 $0x2;
	[sflag:s1] =	ssyncpa.u1 $0x1  }
0x4d: {  	[sflag:s31] =	ssyncpa.u1 $0x1  }
0x4e: {  	p0 =	sne.s32 s3, $0x0;
	_ =	strace $0x90000047  }
0x4f: {  	s0 =	sadd.s32 @!p0 $0x100000, s0;
	[bflag:$0x2] =	sbarrier.arrive $0xFFFF  }
0x50: {  	[sflag:s0] =	ssyncadd.tile.s32 @!p0 $0x1;
	_ =	shalt  }
.Lfunc_end1:
_tile_overlayer_lowered:
.L_overlay_start_2:
0x51: {  	(tag) =	ssettag $0x2  }
0x52: {  	s0 =	rddreg [dreg:$0x0];
	s2 =	stileid.u32  }
0x53: {  	s1 =	rddreg [dreg:$0x1];
	p0 =	sne.s32 s2, $0x0  }
0x54: {  	s3 =	rddreg [dreg:$0x2];
	[bflag:$0x3] =	sbarrier.arrive $0xFFFF;
	s2 =	simm.s32 @!p0 $0x1C01  }
0x55: {  	[timem:s3], [sflag:s2] =	dma.local @!p0 [hbm:s0], s1  }
0x56: {  	s0 =	simm.s32 @!p0 $0x1  }
0x57: {  	_ =	swait.ge @!p0 [sflag:s0], s1  }
0x58: {  	s1 =	ssub.s32 @!p0 $0x0, s1;
	[sflag:s0] =	ssyncset.done @!p0 $0x0  }
0x59: {  	[sflag:s0] =	ssyncadd.s32 @!p0 s1  }
0x5a: {  	[bflag:$0x3] =	sbarrier.arrive $0xFFFF  }
0x5b: {  	_ =	shalt  }

</sc_bundles>
